<compile_context>
chip_gen: v7x
topology: tpu7x:2x2x1
jax: 0.10.2.dev20260603
libtpu: 0.0.44.dev20260713+nightly
codegen_flags: <defaults>
</compile_context>

<pallas_src>
import functools

import jax
import jax.numpy as jnp
from jax import lax
from jax.experimental import pallas as pl
from jax.experimental.pallas import tpu as pltpu
from jax.experimental.pallas import tpu_sc as plsc

N_NODES = 10000
D_FEAT = 128
N_EDGES = 320000

NC = 2
NS = 16
NW = NC * NS

CHUNK = 128
EPW = N_EDGES // NW
NCHUNK = -(-EPW // CHUNK)
EPW_PAD = NCHUNK * CHUNK
NP_ROWS = 10112
RPS = NP_ROWS // NS
ORS = 632


_mesh = plsc.VectorSubcoreMesh(core_axis_name="c", subcore_axis_name="s")


@functools.partial(
    pl.kernel,
    mesh=_mesh,
    out_type=jax.ShapeDtypeStruct((NC, N_NODES, D_FEAT), jnp.float32),
    scratch_types=[
        pltpu.VMEM((NCHUNK, CHUNK), jnp.int32),
        pltpu.VMEM((NCHUNK, CHUNK), jnp.int32),
        pltpu.VMEM((CHUNK, D_FEAT), jnp.float32),
        pltpu.VMEM_SHARED((NP_ROWS, D_FEAT), jnp.float32),
        pltpu.SemaphoreType.DMA,
        pltpu.SemaphoreType.DMA,
        pltpu.SemaphoreType.DMA,
    ],
)
def _sc_propagate(src_hbm, dst_hbm, x_hbm, out_hbm,
                  src_v, dst_v, rows_v, acc_sh, sem, isem0, isem1):
    cid = lax.axis_index("c")
    sid = lax.axis_index("s")
    wid = sid * NC + cid

    pltpu.async_copy(src_hbm.at[wid], src_v, isem0)
    pltpu.async_copy(dst_hbm.at[wid], dst_v, isem1)

    @pl.loop(0, CHUNK)
    def _(r):
        @pl.loop(0, D_FEAT, step=16)
        def _(c):
            rows_v[r, pl.ds(c, 16)] = jnp.zeros((16,), jnp.float32)

    base = sid * RPS

    @pl.loop(0, 4)
    def _(k):
        pltpu.sync_copy(rows_v, acc_sh.at[pl.ds(base + k * CHUNK, CHUNK)])

    pltpu.sync_copy(rows_v.at[pl.ds(0, RPS - 4 * CHUNK)],
                    acc_sh.at[pl.ds(base + 4 * CHUNK, RPS - 4 * CHUNK)])

    pltpu.make_async_copy(src_hbm.at[wid], src_v, isem0).wait()
    pltpu.make_async_copy(dst_hbm.at[wid], dst_v, isem1).wait()

    plsc.subcore_barrier()

    @pl.loop(0, NCHUNK - 1, step=2)
    def _(c):
        pltpu.async_copy(x_hbm.at[src_v.at[c]], rows_v, sem).wait()
        pltpu.sync_copy(rows_v, acc_sh.at[dst_v.at[c]], add=True)
        pltpu.async_copy(x_hbm.at[src_v.at[c + 1]], rows_v, sem).wait()
        pltpu.sync_copy(rows_v, acc_sh.at[dst_v.at[c + 1]], add=True)

    pltpu.async_copy(x_hbm.at[src_v.at[NCHUNK - 1]], rows_v, sem).wait()
    pltpu.sync_copy(rows_v, acc_sh.at[dst_v.at[NCHUNK - 1]], add=True)

    plsc.subcore_barrier()

    @pl.when(sid < NS - 1)
    def _():
        pltpu.sync_copy(acc_sh.at[pl.ds(base, ORS)],
                        out_hbm.at[cid].at[pl.ds(base, ORS)])

    @pl.when(sid == NS - 1)
    def _():
        pltpu.sync_copy(
            acc_sh.at[pl.ds((NS - 1) * ORS, N_NODES - (NS - 1) * ORS)],
            out_hbm.at[cid].at[pl.ds((NS - 1) * ORS, N_NODES - (NS - 1) * ORS)])


def _combine_body(a_ref, b_ref, o_ref):
    o_ref[...] = a_ref[...] + b_ref[...]


def _combine(a, b):
    return pl.pallas_call(
        _combine_body,
        out_shape=jax.ShapeDtypeStruct((N_NODES, D_FEAT), jnp.float32),
        grid=(10,),
        in_specs=[pl.BlockSpec((N_NODES // 10, D_FEAT), lambda i: (i, 0)),
                  pl.BlockSpec((N_NODES // 10, D_FEAT), lambda i: (i, 0))],
        out_specs=pl.BlockSpec((N_NODES // 10, D_FEAT), lambda i: (i, 0)),
    )(a, b)


def kernel(edge_index, x):
    src = edge_index[0].reshape(NW, EPW)
    dst = edge_index[1].reshape(NW, EPW)
    pad = EPW_PAD - EPW
    src_p = jnp.pad(src, ((0, 0), (0, pad))).reshape(NW, NCHUNK, CHUNK)
    dst_p = jnp.pad(dst, ((0, 0), (0, pad)),
                    constant_values=N_NODES).reshape(NW, NCHUNK, CHUNK)
    partials = _sc_propagate(src_p, dst_p, x)
    return _combine(partials[0], partials[1])

# --- scband reference (transcript-rebuilt; emitter-appended) ---
"""Pipeline reference for scband-propagate-33208687133421 (READ-ONLY COPY).

The authoritative reference and input builder live on the scoring server;
editing this copy changes nothing except your own understanding.
"""

import jax, jax.numpy as jnp
import numpy as np

N_NODES = 10000
N_EDGES = 320000
D_FEAT = 128


def setup_inputs(seed: int = 0) -> dict:
    key = jax.random.key(seed)
    k1, k2 = jax.random.split(key)
    x = jax.random.normal(k1, (N_NODES, D_FEAT), dtype=jnp.float32)
    edge_index = jax.random.randint(k2, (2, N_EDGES), 0, N_NODES, dtype=jnp.int32)
    return {"edge_index": edge_index, "x": x}


def reference(edge_index, x):
    # __lift__: gather source-node features along node_dim (-2 -> axis 0 for 2D x)
    src = jnp.take(x, edge_index[0], axis=0)
    # message: identity (edge_weight is None / default message returns x_j)
    msg = src
    # aggregate: scatter-add by destination index with dim_size = x.size(0), aggr='add'
    out = jax.ops.segment_sum(msg, edge_index[1], num_segments=x.shape[0])
    # update: identity
    return out

if __name__ == "__main__":
    import jax
    _d = setup_inputs()
    print(jax.jit(kernel)(*tuple(_d.values())))

</pallas_src>

<mosaic_0001>
#map = affine_map<(d0, d1) -> (0, 0, 0)>
#map1 = affine_map<(d0, d1) -> (0, 0)>
module attributes {stable_mosaic.version = 14 : i64} {
  func.func @_sc_propagate(%arg0: i32, %arg1: i32, %arg2: memref<32x79x128xi32, #tpu.memory_space<hbm>>, %arg3: memref<32x79x128xi32, #tpu.memory_space<hbm>>, %arg4: memref<10000x128xf32, #tpu.memory_space<hbm>>, %arg5: memref<2x10000x128xf32, #tpu.memory_space<hbm>>, %arg6: memref<79x128xi32, #tpu.memory_space<vmem>>, %arg7: memref<79x128xi32, #tpu.memory_space<vmem>>, %arg8: memref<128x128xf32, #tpu.memory_space<vmem>>, %arg9: memref<10112x128xf32, #tpu.memory_space<vmem_shared>>, %arg10: memref<!tpu.dma_semaphore, #tpu.memory_space<semaphore_mem>>, %arg11: memref<!tpu.dma_semaphore, #tpu.memory_space<semaphore_mem>>, %arg12: memref<!tpu.dma_semaphore, #tpu.memory_space<semaphore_mem>>) attributes {dimension_semantics = [#tpu.dimension_semantics<core_parallel>, #tpu.dimension_semantics<subcore_parallel>], iteration_bounds = array<i64: 2, 16>, scalar_prefetch = 0 : i64, scratch_operands = 7 : i64, tpu.core_type = #tpu.core_type<sc_vector_subcore>, window_params = [{transform_indices = #map}, {transform_indices = #map}, {transform_indices = #map1}, {transform_indices = #map}]} {
    %mul3A = arith.constant 2 : i32
    %mul3A_0 = arith.muli %arg1, %mul3A : i32
    %add3A = arith.addi %mul3A_0, %arg0 : i32
    %dma_start3A = arith.constant 0 : i32
    %dma_start3A_1 = arith.constant 0 : i32
    %dma_start3A_2 = tpu.memref_slice %arg2[%add3A, %dma_start3A, %dma_start3A_1] : memref<32x79x128xi32, #tpu.memory_space<hbm>> -> memref<1x79x128xi32, #tpu.memory_space<hbm>>
    %dma_start3A_3 = tpu.memref_squeeze %dma_start3A_2 : memref<1x79x128xi32, #tpu.memory_space<hbm>> -> memref<79x128xi32, #tpu.memory_space<hbm>>
    %dma_start3A_4 = arith.constant 0 : i32
    %dma_start3A_5 = arith.constant 0 : i32
    %dma_start3A_6 = tpu.memref_slice %arg2[%add3A, %dma_start3A_4, %dma_start3A_5] : memref<32x79x128xi32, #tpu.memory_space<hbm>> -> memref<1x79x128xi32, #tpu.memory_space<hbm>>
    %dma_start3A_7 = tpu.memref_squeeze %dma_start3A_6 : memref<1x79x128xi32, #tpu.memory_space<hbm>> -> memref<79x128xi32, #tpu.memory_space<hbm>>
    tpu.enqueue_dma source(%dma_start3A_7 : memref<79x128xi32, #tpu.memory_space<hbm>>) target(%arg6 : memref<79x128xi32, #tpu.memory_space<vmem>>) target_semaphore(%arg11 : memref<!tpu.dma_semaphore, #tpu.memory_space<semaphore_mem>>)
    %dma_start3A_8 = arith.constant 0 : i32
    %dma_start3A_9 = arith.constant 0 : i32
    %dma_start3A_10 = tpu.memref_slice %arg3[%add3A, %dma_start3A_8, %dma_start3A_9] : memref<32x79x128xi32, #tpu.memory_space<hbm>> -> memref<1x79x128xi32, #tpu.memory_space<hbm>>
    %dma_start3A_11 = tpu.memref_squeeze %dma_start3A_10 : memref<1x79x128xi32, #tpu.memory_space<hbm>> -> memref<79x128xi32, #tpu.memory_space<hbm>>
    %dma_start3A_12 = arith.constant 0 : i32
    %dma_start3A_13 = arith.constant 0 : i32
    %dma_start3A_14 = tpu.memref_slice %arg3[%add3A, %dma_start3A_12, %dma_start3A_13] : memref<32x79x128xi32, #tpu.memory_space<hbm>> -> memref<1x79x128xi32, #tpu.memory_space<hbm>>
    %dma_start3A_15 = tpu.memref_squeeze %dma_start3A_14 : memref<1x79x128xi32, #tpu.memory_space<hbm>> -> memref<79x128xi32, #tpu.memory_space<hbm>>
    tpu.enqueue_dma source(%dma_start3A_15 : memref<79x128xi32, #tpu.memory_space<hbm>>) target(%arg7 : memref<79x128xi32, #tpu.memory_space<vmem>>) target_semaphore(%arg12 : memref<!tpu.dma_semaphore, #tpu.memory_space<semaphore_mem>>)
    %scan3A = arith.constant 0 : i32
    %scan3A_16 = arith.constant 128 : i32
    %scan3A_17 = arith.addi %scan3A, %scan3A_16 : i32
    %scan3A_18 = arith.constant 1 : i32
    scf.for %scan3A_70 = %scan3A to %scan3A_17 step %scan3A_18  : i32 {
      %mul3A_71 = arith.constant 1 : i32
      %mul3A_72 = arith.muli %scan3A_70, %mul3A_71 : i32
      %add3A_73 = arith.constant 0 : i32
      %add3A_74 = arith.addi %add3A_73, %mul3A_72 : i32
      %scan3A_75 = arith.constant 0 : i32
      %scan3A_76 = arith.constant 8 : i32
      %scan3A_77 = arith.addi %scan3A_75, %scan3A_76 : i32
      %scan3A_78 = arith.constant 1 : i32
      scf.for %scan3A_80 = %scan3A_75 to %scan3A_77 step %scan3A_78  : i32 {
        %mul3A_81 = arith.constant 16 : i32
        %mul3A_82 = arith.muli %scan3A_80, %mul3A_81 : i32
        %add3A_83 = arith.constant 0 : i32
        %add3A_84 = arith.addi %add3A_83, %mul3A_82 : i32
        %broadcast_in_dim3A = arith.constant 0.000000e+00 : f32
        %broadcast_in_dim3A_85 = vector.broadcast %broadcast_in_dim3A : f32 to vector<16xf32>
        %swap3A = arith.index_cast %add3A_74 : i32 to index
        %swap3A_86 = arith.index_cast %add3A_84 : i32 to index
        %swap3A_87 = tpu.vector_load %arg8[%swap3A, %swap3A_86] {strides = array<i32>} : memref<128x128xf32, #tpu.memory_space<vmem>>, vector<1x16xf32>,
        %swap3A_88 = vector.shape_cast %swap3A_87 : vector<1x16xf32> to vector<16xf32>
        %swap3A_89 = vector.shape_cast %broadcast_in_dim3A_85 : vector<16xf32> to vector<1x16xf32>
        tpu.vector_store %arg8[%swap3A, %swap3A_86], %swap3A_89 {strides = array<i32>} : memref<128x128xf32, #tpu.memory_space<vmem>>, vector<1x16xf32>,
      }
      %scan3A_79 = arith.constant 8 : i32
    }
    %scan3A_19 = arith.constant 128 : i32
    %mul3A_20 = arith.constant 632 : i32
    %mul3A_21 = arith.muli %arg1, %mul3A_20 : i32
    %scan3A_22 = arith.constant 0 : i32
    %scan3A_23 = arith.constant 4 : i32
    %scan3A_24 = arith.addi %scan3A_22, %scan3A_23 : i32
    %scan3A_25 = arith.constant 1 : i32
    scf.for %scan3A_70 = %scan3A_22 to %scan3A_24 step %scan3A_25  : i32 {
      %mul3A_71 = arith.constant 1 : i32
      %mul3A_72 = arith.muli %scan3A_70, %mul3A_71 : i32
      %add3A_73 = arith.constant 0 : i32
      %add3A_74 = arith.addi %add3A_73, %mul3A_72 : i32
      %mul3A_75 = arith.constant 128 : i32
      %mul3A_76 = arith.muli %add3A_74, %mul3A_75 : i32
      %add3A_77 = arith.addi %mul3A_21, %mul3A_76 : i32
      "tpu.region"() ({
        %run_scoped3A_78 = tpu.sem_alloc : memref<!tpu.dma_semaphore, #tpu.memory_space<semaphore_mem>>
        %dma_start3A_79 = arith.constant 0 : i32
        %dma_start3A_80 = tpu.memref_slice %arg9[%add3A_77, %dma_start3A_79] : memref<10112x128xf32, #tpu.memory_space<vmem_shared>> -> memref<128x128xf32, #tpu.memory_space<vmem_shared>>
        %dma_start3A_81 = arith.constant 0 : i32
        %dma_start3A_82 = tpu.memref_slice %arg9[%add3A_77, %dma_start3A_81] : memref<10112x128xf32, #tpu.memory_space<vmem_shared>> -> memref<128x128xf32, #tpu.memory_space<vmem_shared>>
        tpu.enqueue_dma source(%arg8 : memref<128x128xf32, #tpu.memory_space<vmem>>) target(%dma_start3A_82 : memref<128x128xf32, #tpu.memory_space<vmem_shared>>) target_semaphore(%run_scoped3A_78 : memref<!tpu.dma_semaphore, #tpu.memory_space<semaphore_mem>>)
        %dma_wait3A_83 = arith.constant 0 : i32
        %dma_wait3A_84 = tpu.memref_slice %arg9[%add3A_77, %dma_wait3A_83] : memref<10112x128xf32, #tpu.memory_space<vmem_shared>> -> memref<128x128xf32, #tpu.memory_space<vmem_shared>>
        %dma_wait3A_85 = arith.constant 0 : i32
        %dma_wait3A_86 = tpu.memref_slice %arg9[%add3A_77, %dma_wait3A_85] : memref<10112x128xf32, #tpu.memory_space<vmem_shared>> -> memref<128x128xf32, #tpu.memory_space<vmem_shared>>
        tpu.wait_dma2 semaphore(%run_scoped3A_78 : memref<!tpu.dma_semaphore, #tpu.memory_space<semaphore_mem>>) src(%arg8 : memref<128x128xf32, #tpu.memory_space<vmem>>) dst(%dma_wait3A_86 : memref<128x128xf32, #tpu.memory_space<vmem_shared>>)
        tpu.yield
      }) : () -> ()
    }
    %scan3A_26 = arith.constant 4 : i32
    %add3A_27 = arith.constant 512 : i32
    %add3A_28 = arith.addi %mul3A_21, %add3A_27 : i32
    "tpu.region"() ({
      %run_scoped3A_70 = tpu.sem_alloc : memref<!tpu.dma_semaphore, #tpu.memory_space<semaphore_mem>>
      %dma_start3A_71 = arith.constant 0 : i32
      %dma_start3A_72 = arith.constant 0 : i32
      %dma_start3A_73 = tpu.memref_slice %arg8[%dma_start3A_71, %dma_start3A_72] : memref<128x128xf32, #tpu.memory_space<vmem>> -> memref<120x128xf32, #tpu.memory_space<vmem>>
      %dma_start3A_74 = arith.constant 0 : i32
      %dma_start3A_75 = tpu.memref_slice %arg9[%add3A_28, %dma_start3A_74] : memref<10112x128xf32, #tpu.memory_space<vmem_shared>> -> memref<120x128xf32, #tpu.memory_space<vmem_shared>>
      %dma_start3A_76 = arith.constant 0 : i32
      %dma_start3A_77 = tpu.memref_slice %arg9[%add3A_28, %dma_start3A_76] : memref<10112x128xf32, #tpu.memory_space<vmem_shared>> -> memref<120x128xf32, #tpu.memory_space<vmem_shared>>
      %dma_start3A_78 = arith.constant 0 : i32
      %dma_start3A_79 = arith.constant 0 : i32
      %dma_start3A_80 = tpu.memref_slice %arg8[%dma_start3A_78, %dma_start3A_79] : memref<128x128xf32, #tpu.memory_space<vmem>> -> memref<120x128xf32, #tpu.memory_space<vmem>>
      tpu.enqueue_dma source(%dma_start3A_80 : memref<120x128xf32, #tpu.memory_space<vmem>>) target(%dma_start3A_77 : memref<120x128xf32, #tpu.memory_space<vmem_shared>>) target_semaphore(%run_scoped3A_70 : memref<!tpu.dma_semaphore, #tpu.memory_space<semaphore_mem>>)
      %dma_wait3A_81 = arith.constant 0 : i32
      %dma_wait3A_82 = arith.constant 0 : i32
      %dma_wait3A_83 = tpu.memref_slice %arg8[%dma_wait3A_81, %dma_wait3A_82] : memref<128x128xf32, #tpu.memory_space<vmem>> -> memref<120x128xf32, #tpu.memory_space<vmem>>
      %dma_wait3A_84 = arith.constant 0 : i32
      %dma_wait3A_85 = tpu.memref_slice %arg9[%add3A_28, %dma_wait3A_84] : memref<10112x128xf32, #tpu.memory_space<vmem_shared>> -> memref<120x128xf32, #tpu.memory_space<vmem_shared>>
      %dma_wait3A_86 = arith.constant 0 : i32
      %dma_wait3A_87 = tpu.memref_slice %arg9[%add3A_28, %dma_wait3A_86] : memref<10112x128xf32, #tpu.memory_space<vmem_shared>> -> memref<120x128xf32, #tpu.memory_space<vmem_shared>>
      %dma_wait3A_88 = arith.constant 0 : i32
      %dma_wait3A_89 = arith.constant 0 : i32
      %dma_wait3A_90 = tpu.memref_slice %arg8[%dma_wait3A_88, %dma_wait3A_89] : memref<128x128xf32, #tpu.memory_space<vmem>> -> memref<120x128xf32, #tpu.memory_space<vmem>>
      tpu.wait_dma2 semaphore(%run_scoped3A_70 : memref<!tpu.dma_semaphore, #tpu.memory_space<semaphore_mem>>) src(%dma_wait3A_90 : memref<120x128xf32, #tpu.memory_space<vmem>>) dst(%dma_wait3A_87 : memref<120x128xf32, #tpu.memory_space<vmem_shared>>)
      tpu.yield
    }) : () -> ()
    %dma_wait3A = arith.constant 0 : i32
    %dma_wait3A_29 = arith.constant 0 : i32
    %dma_wait3A_30 = tpu.memref_slice %arg2[%add3A, %dma_wait3A, %dma_wait3A_29] : memref<32x79x128xi32, #tpu.memory_space<hbm>> -> memref<1x79x128xi32, #tpu.memory_space<hbm>>
    %dma_wait3A_31 = tpu.memref_squeeze %dma_wait3A_30 : memref<1x79x128xi32, #tpu.memory_space<hbm>> -> memref<79x128xi32, #tpu.memory_space<hbm>>
    %dma_wait3A_32 = arith.constant 0 : i32
    %dma_wait3A_33 = arith.constant 0 : i32
    %dma_wait3A_34 = tpu.memref_slice %arg2[%add3A, %dma_wait3A_32, %dma_wait3A_33] : memref<32x79x128xi32, #tpu.memory_space<hbm>> -> memref<1x79x128xi32, #tpu.memory_space<hbm>>
    %dma_wait3A_35 = tpu.memref_squeeze %dma_wait3A_34 : memref<1x79x128xi32, #tpu.memory_space<hbm>> -> memref<79x128xi32, #tpu.memory_space<hbm>>
    tpu.wait_dma2 semaphore(%arg11 : memref<!tpu.dma_semaphore, #tpu.memory_space<semaphore_mem>>) src(%dma_wait3A_35 : memref<79x128xi32, #tpu.memory_space<hbm>>) dst(%arg6 : memref<79x128xi32, #tpu.memory_space<vmem>>)
    %dma_wait3A_36 = arith.constant 0 : i32
    %dma_wait3A_37 = arith.constant 0 : i32
    %dma_wait3A_38 = tpu.memref_slice %arg3[%add3A, %dma_wait3A_36, %dma_wait3A_37] : memref<32x79x128xi32, #tpu.memory_space<hbm>> -> memref<1x79x128xi32, #tpu.memory_space<hbm>>
    %dma_wait3A_39 = tpu.memref_squeeze %dma_wait3A_38 : memref<1x79x128xi32, #tpu.memory_space<hbm>> -> memref<79x128xi32, #tpu.memory_space<hbm>>
    %dma_wait3A_40 = arith.constant 0 : i32
    %dma_wait3A_41 = arith.constant 0 : i32
    %dma_wait3A_42 = tpu.memref_slice %arg3[%add3A, %dma_wait3A_40, %dma_wait3A_41] : memref<32x79x128xi32, #tpu.memory_space<hbm>> -> memref<1x79x128xi32, #tpu.memory_space<hbm>>
    %dma_wait3A_43 = tpu.memref_squeeze %dma_wait3A_42 : memref<1x79x128xi32, #tpu.memory_space<hbm>> -> memref<79x128xi32, #tpu.memory_space<hbm>>
    tpu.wait_dma2 semaphore(%arg12 : memref<!tpu.dma_semaphore, #tpu.memory_space<semaphore_mem>>) src(%dma_wait3A_43 : memref<79x128xi32, #tpu.memory_space<hbm>>) dst(%arg7 : memref<79x128xi32, #tpu.memory_space<vmem>>)
    %barrier3A = arith.constant 0 : index
    tpu.barrier barrier_id(%barrier3A)
    %scan3A_44 = arith.constant 0 : i32
    %scan3A_45 = arith.constant 39 : i32
    %scan3A_46 = arith.addi %scan3A_44, %scan3A_45 : i32
    %scan3A_47 = arith.constant 1 : i32
    scf.for %scan3A_70 = %scan3A_44 to %scan3A_46 step %scan3A_47  : i32 {
      %mul3A_71 = arith.constant 2 : i32
      %mul3A_72 = arith.muli %scan3A_70, %mul3A_71 : i32
      %add3A_73 = arith.constant 0 : i32
      %add3A_74 = arith.addi %add3A_73, %mul3A_72 : i32
      %dma_start3A_75 = arith.constant 0 : i32
      %dma_start3A_76 = tpu.memref_slice %arg6[%add3A_74, %dma_start3A_75] : memref<79x128xi32, #tpu.memory_space<vmem>> -> memref<1x128xi32, #tpu.memory_space<vmem>>
      %dma_start3A_77 = tpu.memref_squeeze %dma_start3A_76 : memref<1x128xi32, #tpu.memory_space<vmem>> -> memref<128xi32, #tpu.memory_space<vmem>>
      %dma_start3A_78 = arith.constant 0 : i32
      %dma_start3A_79 = arith.constant 0 : i32
      %dma_start3A_80 = tpu.memref_slice %arg4[%dma_start3A_78, %dma_start3A_79] : memref<10000x128xf32, #tpu.memory_space<hbm>> -> memref<10000x128xf32, #tpu.memory_space<hbm>>
      tpu.enqueue_indirect_dma source(%dma_start3A_80 : memref<10000x128xf32, #tpu.memory_space<hbm>>) target(%arg8 : memref<128x128xf32, #tpu.memory_space<vmem>>) offsets(%dma_start3A_77 : memref<128xi32, #tpu.memory_space<vmem>>) semaphore(%arg10 : memref<!tpu.dma_semaphore, #tpu.memory_space<semaphore_mem>>)
      %dma_wait3A_81 = arith.constant 0 : i32
      %dma_wait3A_82 = tpu.memref_slice %arg6[%add3A_74, %dma_wait3A_81] : memref<79x128xi32, #tpu.memory_space<vmem>> -> memref<1x128xi32, #tpu.memory_space<vmem>>
      %dma_wait3A_83 = tpu.memref_squeeze %dma_wait3A_82 : memref<1x128xi32, #tpu.memory_space<vmem>> -> memref<128xi32, #tpu.memory_space<vmem>>
      %dma_wait3A_84 = arith.constant 0 : i32
      %dma_wait3A_85 = arith.constant 0 : i32
      %dma_wait3A_86 = tpu.memref_slice %arg4[%dma_wait3A_84, %dma_wait3A_85] : memref<10000x128xf32, #tpu.memory_space<hbm>> -> memref<10000x128xf32, #tpu.memory_space<hbm>>
      tpu.wait_indirect_dma semaphore(%arg10 : memref<!tpu.dma_semaphore, #tpu.memory_space<semaphore_mem>>) src(%dma_wait3A_86 : memref<10000x128xf32, #tpu.memory_space<hbm>>) dst(%arg8 : memref<128x128xf32, #tpu.memory_space<vmem>>)
      "tpu.region"() ({
        %run_scoped3A_103 = tpu.sem_alloc : memref<!tpu.dma_semaphore, #tpu.memory_space<semaphore_mem>>
        %dma_start3A_104 = arith.constant 0 : i32
        %dma_start3A_105 = tpu.memref_slice %arg7[%add3A_74, %dma_start3A_104] : memref<79x128xi32, #tpu.memory_space<vmem>> -> memref<1x128xi32, #tpu.memory_space<vmem>>
        %dma_start3A_106 = tpu.memref_squeeze %dma_start3A_105 : memref<1x128xi32, #tpu.memory_space<vmem>> -> memref<128xi32, #tpu.memory_space<vmem>>
        %dma_start3A_107 = arith.constant 0 : i32
        %dma_start3A_108 = arith.constant 0 : i32
        %dma_start3A_109 = tpu.memref_slice %arg9[%dma_start3A_107, %dma_start3A_108] : memref<10112x128xf32, #tpu.memory_space<vmem_shared>> -> memref<10112x128xf32, #tpu.memory_space<vmem_shared>>
        tpu.enqueue_indirect_dma source(%arg8 : memref<128x128xf32, #tpu.memory_space<vmem>>) target(%dma_start3A_109 : memref<10112x128xf32, #tpu.memory_space<vmem_shared>>) offsets(%dma_start3A_106 : memref<128xi32, #tpu.memory_space<vmem>>) semaphore(%run_scoped3A_103 : memref<!tpu.dma_semaphore, #tpu.memory_space<semaphore_mem>>) {add = true}
        %dma_wait3A_110 = arith.constant 0 : i32
        %dma_wait3A_111 = tpu.memref_slice %arg7[%add3A_74, %dma_wait3A_110] : memref<79x128xi32, #tpu.memory_space<vmem>> -> memref<1x128xi32, #tpu.memory_space<vmem>>
        %dma_wait3A_112 = tpu.memref_squeeze %dma_wait3A_111 : memref<1x128xi32, #tpu.memory_space<vmem>> -> memref<128xi32, #tpu.memory_space<vmem>>
        %dma_wait3A_113 = arith.constant 0 : i32
        %dma_wait3A_114 = arith.constant 0 : i32
        %dma_wait3A_115 = tpu.memref_slice %arg9[%dma_wait3A_113, %dma_wait3A_114] : memref<10112x128xf32, #tpu.memory_space<vmem_shared>> -> memref<10112x128xf32, #tpu.memory_space<vmem_shared>>
        tpu.wait_indirect_dma semaphore(%run_scoped3A_103 : memref<!tpu.dma_semaphore, #tpu.memory_space<semaphore_mem>>) src(%arg8 : memref<128x128xf32, #tpu.memory_space<vmem>>) dst(%dma_wait3A_115 : memref<10112x128xf32, #tpu.memory_space<vmem_shared>>)
        tpu.yield
      }) : () -> ()
      %add3A_87 = arith.constant 1 : i32
      %add3A_88 = arith.addi %add3A_74, %add3A_87 : i32
      %dma_start3A_89 = arith.constant 0 : i32
      %dma_start3A_90 = tpu.memref_slice %arg6[%add3A_88, %dma_start3A_89] : memref<79x128xi32, #tpu.memory_space<vmem>> -> memref<1x128xi32, #tpu.memory_space<vmem>>
      %dma_start3A_91 = tpu.memref_squeeze %dma_start3A_90 : memref<1x128xi32, #tpu.memory_space<vmem>> -> memref<128xi32, #tpu.memory_space<vmem>>
      %dma_start3A_92 = arith.constant 0 : i32
      %dma_start3A_93 = arith.constant 0 : i32
      %dma_start3A_94 = tpu.memref_slice %arg4[%dma_start3A_92, %dma_start3A_93] : memref<10000x128xf32, #tpu.memory_space<hbm>> -> memref<10000x128xf32, #tpu.memory_space<hbm>>
      tpu.enqueue_indirect_dma source(%dma_start3A_94 : memref<10000x128xf32, #tpu.memory_space<hbm>>) target(%arg8 : memref<128x128xf32, #tpu.memory_space<vmem>>) offsets(%dma_start3A_91 : memref<128xi32, #tpu.memory_space<vmem>>) semaphore(%arg10 : memref<!tpu.dma_semaphore, #tpu.memory_space<semaphore_mem>>)
      %dma_wait3A_95 = arith.constant 0 : i32
      %dma_wait3A_96 = tpu.memref_slice %arg6[%add3A_88, %dma_wait3A_95] : memref<79x128xi32, #tpu.memory_space<vmem>> -> memref<1x128xi32, #tpu.memory_space<vmem>>
      %dma_wait3A_97 = tpu.memref_squeeze %dma_wait3A_96 : memref<1x128xi32, #tpu.memory_space<vmem>> -> memref<128xi32, #tpu.memory_space<vmem>>
      %dma_wait3A_98 = arith.constant 0 : i32
      %dma_wait3A_99 = arith.constant 0 : i32
      %dma_wait3A_100 = tpu.memref_slice %arg4[%dma_wait3A_98, %dma_wait3A_99] : memref<10000x128xf32, #tpu.memory_space<hbm>> -> memref<10000x128xf32, #tpu.memory_space<hbm>>
      tpu.wait_indirect_dma semaphore(%arg10 : memref<!tpu.dma_semaphore, #tpu.memory_space<semaphore_mem>>) src(%dma_wait3A_100 : memref<10000x128xf32, #tpu.memory_space<hbm>>) dst(%arg8 : memref<128x128xf32, #tpu.memory_space<vmem>>)
      %add3A_101 = arith.constant 1 : i32
      %add3A_102 = arith.addi %add3A_74, %add3A_101 : i32
      "tpu.region"() ({
        %run_scoped3A_103 = tpu.sem_alloc : memref<!tpu.dma_semaphore, #tpu.memory_space<semaphore_mem>>
        %dma_start3A_104 = arith.constant 0 : i32
        %dma_start3A_105 = tpu.memref_slice %arg7[%add3A_102, %dma_start3A_104] : memref<79x128xi32, #tpu.memory_space<vmem>> -> memref<1x128xi32, #tpu.memory_space<vmem>>
        %dma_start3A_106 = tpu.memref_squeeze %dma_start3A_105 : memref<1x128xi32, #tpu.memory_space<vmem>> -> memref<128xi32, #tpu.memory_space<vmem>>
        %dma_start3A_107 = arith.constant 0 : i32
        %dma_start3A_108 = arith.constant 0 : i32
        %dma_start3A_109 = tpu.memref_slice %arg9[%dma_start3A_107, %dma_start3A_108] : memref<10112x128xf32, #tpu.memory_space<vmem_shared>> -> memref<10112x128xf32, #tpu.memory_space<vmem_shared>>
        tpu.enqueue_indirect_dma source(%arg8 : memref<128x128xf32, #tpu.memory_space<vmem>>) target(%dma_start3A_109 : memref<10112x128xf32, #tpu.memory_space<vmem_shared>>) offsets(%dma_start3A_106 : memref<128xi32, #tpu.memory_space<vmem>>) semaphore(%run_scoped3A_103 : memref<!tpu.dma_semaphore, #tpu.memory_space<semaphore_mem>>) {add = true}
        %dma_wait3A_110 = arith.constant 0 : i32
        %dma_wait3A_111 = tpu.memref_slice %arg7[%add3A_102, %dma_wait3A_110] : memref<79x128xi32, #tpu.memory_space<vmem>> -> memref<1x128xi32, #tpu.memory_space<vmem>>
        %dma_wait3A_112 = tpu.memref_squeeze %dma_wait3A_111 : memref<1x128xi32, #tpu.memory_space<vmem>> -> memref<128xi32, #tpu.memory_space<vmem>>
        %dma_wait3A_113 = arith.constant 0 : i32
        %dma_wait3A_114 = arith.constant 0 : i32
        %dma_wait3A_115 = tpu.memref_slice %arg9[%dma_wait3A_113, %dma_wait3A_114] : memref<10112x128xf32, #tpu.memory_space<vmem_shared>> -> memref<10112x128xf32, #tpu.memory_space<vmem_shared>>
        tpu.wait_indirect_dma semaphore(%run_scoped3A_103 : memref<!tpu.dma_semaphore, #tpu.memory_space<semaphore_mem>>) src(%arg8 : memref<128x128xf32, #tpu.memory_space<vmem>>) dst(%dma_wait3A_115 : memref<10112x128xf32, #tpu.memory_space<vmem_shared>>)
        tpu.yield
      }) : () -> ()
    }
    %scan3A_48 = arith.constant 39 : i32
    %dma_start3A_49 = arith.constant 78 : i32
    %dma_start3A_50 = arith.constant 0 : i32
    %dma_start3A_51 = tpu.memref_slice %arg6[%dma_start3A_49, %dma_start3A_50] : memref<79x128xi32, #tpu.memory_space<vmem>> -> memref<1x128xi32, #tpu.memory_space<vmem>>
    %dma_start3A_52 = tpu.memref_squeeze %dma_start3A_51 : memref<1x128xi32, #tpu.memory_space<vmem>> -> memref<128xi32, #tpu.memory_space<vmem>>
    %dma_start3A_53 = arith.constant 0 : i32
    %dma_start3A_54 = arith.constant 0 : i32
    %dma_start3A_55 = tpu.memref_slice %arg4[%dma_start3A_53, %dma_start3A_54] : memref<10000x128xf32, #tpu.memory_space<hbm>> -> memref<10000x128xf32, #tpu.memory_space<hbm>>
    tpu.enqueue_indirect_dma source(%dma_start3A_55 : memref<10000x128xf32, #tpu.memory_space<hbm>>) target(%arg8 : memref<128x128xf32, #tpu.memory_space<vmem>>) offsets(%dma_start3A_52 : memref<128xi32, #tpu.memory_space<vmem>>) semaphore(%arg10 : memref<!tpu.dma_semaphore, #tpu.memory_space<semaphore_mem>>)
    %dma_wait3A_56 = arith.constant 78 : i32
    %dma_wait3A_57 = arith.constant 0 : i32
    %dma_wait3A_58 = tpu.memref_slice %arg6[%dma_wait3A_56, %dma_wait3A_57] : memref<79x128xi32, #tpu.memory_space<vmem>> -> memref<1x128xi32, #tpu.memory_space<vmem>>
    %dma_wait3A_59 = tpu.memref_squeeze %dma_wait3A_58 : memref<1x128xi32, #tpu.memory_space<vmem>> -> memref<128xi32, #tpu.memory_space<vmem>>
    %dma_wait3A_60 = arith.constant 0 : i32
    %dma_wait3A_61 = arith.constant 0 : i32
    %dma_wait3A_62 = tpu.memref_slice %arg4[%dma_wait3A_60, %dma_wait3A_61] : memref<10000x128xf32, #tpu.memory_space<hbm>> -> memref<10000x128xf32, #tpu.memory_space<hbm>>
    tpu.wait_indirect_dma semaphore(%arg10 : memref<!tpu.dma_semaphore, #tpu.memory_space<semaphore_mem>>) src(%dma_wait3A_62 : memref<10000x128xf32, #tpu.memory_space<hbm>>) dst(%arg8 : memref<128x128xf32, #tpu.memory_space<vmem>>)
    %run_scoped3A = arith.constant 78 : i32
    "tpu.region"() ({
      %run_scoped3A_70 = tpu.sem_alloc : memref<!tpu.dma_semaphore, #tpu.memory_space<semaphore_mem>>
      %dma_start3A_71 = arith.constant 0 : i32
      %dma_start3A_72 = tpu.memref_slice %arg7[%run_scoped3A, %dma_start3A_71] : memref<79x128xi32, #tpu.memory_space<vmem>> -> memref<1x128xi32, #tpu.memory_space<vmem>>
      %dma_start3A_73 = tpu.memref_squeeze %dma_start3A_72 : memref<1x128xi32, #tpu.memory_space<vmem>> -> memref<128xi32, #tpu.memory_space<vmem>>
      %dma_start3A_74 = arith.constant 0 : i32
      %dma_start3A_75 = arith.constant 0 : i32
      %dma_start3A_76 = tpu.memref_slice %arg9[%dma_start3A_74, %dma_start3A_75] : memref<10112x128xf32, #tpu.memory_space<vmem_shared>> -> memref<10112x128xf32, #tpu.memory_space<vmem_shared>>
      tpu.enqueue_indirect_dma source(%arg8 : memref<128x128xf32, #tpu.memory_space<vmem>>) target(%dma_start3A_76 : memref<10112x128xf32, #tpu.memory_space<vmem_shared>>) offsets(%dma_start3A_73 : memref<128xi32, #tpu.memory_space<vmem>>) semaphore(%run_scoped3A_70 : memref<!tpu.dma_semaphore, #tpu.memory_space<semaphore_mem>>) {add = true}
      %dma_wait3A_77 = arith.constant 0 : i32
      %dma_wait3A_78 = tpu.memref_slice %arg7[%run_scoped3A, %dma_wait3A_77] : memref<79x128xi32, #tpu.memory_space<vmem>> -> memref<1x128xi32, #tpu.memory_space<vmem>>
      %dma_wait3A_79 = tpu.memref_squeeze %dma_wait3A_78 : memref<1x128xi32, #tpu.memory_space<vmem>> -> memref<128xi32, #tpu.memory_space<vmem>>
      %dma_wait3A_80 = arith.constant 0 : i32
      %dma_wait3A_81 = arith.constant 0 : i32
      %dma_wait3A_82 = tpu.memref_slice %arg9[%dma_wait3A_80, %dma_wait3A_81] : memref<10112x128xf32, #tpu.memory_space<vmem_shared>> -> memref<10112x128xf32, #tpu.memory_space<vmem_shared>>
      tpu.wait_indirect_dma semaphore(%run_scoped3A_70 : memref<!tpu.dma_semaphore, #tpu.memory_space<semaphore_mem>>) src(%arg8 : memref<128x128xf32, #tpu.memory_space<vmem>>) dst(%dma_wait3A_82 : memref<10112x128xf32, #tpu.memory_space<vmem_shared>>)
      tpu.yield
    }) : () -> ()
    %barrier3A_63 = arith.constant 0 : index
    tpu.barrier barrier_id(%barrier3A_63)
    %lt3A = arith.constant 15 : i32
    %lt3A_64 = arith.cmpi slt, %arg1, %lt3A : i32
    %convert_element_type3A = arith.extui %lt3A_64 : i1 to i32
    %cond3A = arith.constant 0 : i32
    %cond3A_65 = arith.cmpi ne, %convert_element_type3A, %cond3A : i32
    scf.if %cond3A_65 {
      "tpu.region"() ({
        %run_scoped3A_70 = tpu.sem_alloc : memref<!tpu.dma_semaphore, #tpu.memory_space<semaphore_mem>>
        %dma_start3A_71 = arith.constant 0 : i32
        %dma_start3A_72 = arith.constant 0 : i32
        %dma_start3A_73 = tpu.memref_slice %arg5[%arg0, %dma_start3A_71, %dma_start3A_72] : memref<2x10000x128xf32, #tpu.memory_space<hbm>> -> memref<1x10000x128xf32, #tpu.memory_space<hbm>>
        %dma_start3A_74 = tpu.memref_squeeze %dma_start3A_73 : memref<1x10000x128xf32, #tpu.memory_space<hbm>> -> memref<10000x128xf32, #tpu.memory_space<hbm>>
        %dma_start3A_75 = arith.constant 0 : i32
        %dma_start3A_76 = tpu.memref_slice %dma_start3A_74[%mul3A_21, %dma_start3A_75] : memref<10000x128xf32, #tpu.memory_space<hbm>> -> memref<632x128xf32, #tpu.memory_space<hbm>>
        %dma_start3A_77 = arith.constant 0 : i32
        %dma_start3A_78 = tpu.memref_slice %arg9[%mul3A_21, %dma_start3A_77] : memref<10112x128xf32, #tpu.memory_space<vmem_shared>> -> memref<632x128xf32, #tpu.memory_space<vmem_shared>>
        tpu.enqueue_dma source(%dma_start3A_78 : memref<632x128xf32, #tpu.memory_space<vmem_shared>>) target(%dma_start3A_76 : memref<632x128xf32, #tpu.memory_space<hbm>>) target_semaphore(%run_scoped3A_70 : memref<!tpu.dma_semaphore, #tpu.memory_space<semaphore_mem>>)
        %dma_wait3A_79 = arith.constant 0 : i32
        %dma_wait3A_80 = arith.constant 0 : i32
        %dma_wait3A_81 = tpu.memref_slice %arg5[%arg0, %dma_wait3A_79, %dma_wait3A_80] : memref<2x10000x128xf32, #tpu.memory_space<hbm>> -> memref<1x10000x128xf32, #tpu.memory_space<hbm>>
        %dma_wait3A_82 = tpu.memref_squeeze %dma_wait3A_81 : memref<1x10000x128xf32, #tpu.memory_space<hbm>> -> memref<10000x128xf32, #tpu.memory_space<hbm>>
        %dma_wait3A_83 = arith.constant 0 : i32
        %dma_wait3A_84 = tpu.memref_slice %dma_wait3A_82[%mul3A_21, %dma_wait3A_83] : memref<10000x128xf32, #tpu.memory_space<hbm>> -> memref<632x128xf32, #tpu.memory_space<hbm>>
        %dma_wait3A_85 = arith.constant 0 : i32
        %dma_wait3A_86 = tpu.memref_slice %arg9[%mul3A_21, %dma_wait3A_85] : memref<10112x128xf32, #tpu.memory_space<vmem_shared>> -> memref<632x128xf32, #tpu.memory_space<vmem_shared>>
        tpu.wait_dma2 semaphore(%run_scoped3A_70 : memref<!tpu.dma_semaphore, #tpu.memory_space<semaphore_mem>>) src(%dma_wait3A_86 : memref<632x128xf32, #tpu.memory_space<vmem_shared>>) dst(%dma_wait3A_84 : memref<632x128xf32, #tpu.memory_space<hbm>>)
        tpu.yield
      }) : () -> ()
    } else {
    }
    %eq3A = arith.constant 15 : i32
    %eq3A_66 = arith.cmpi eq, %arg1, %eq3A : i32
    %convert_element_type3A_67 = arith.extui %eq3A_66 : i1 to i32
    %cond3A_68 = arith.constant 0 : i32
    %cond3A_69 = arith.cmpi ne, %convert_element_type3A_67, %cond3A_68 : i32
    scf.if %cond3A_69 {
      "tpu.region"() ({
        %run_scoped3A_70 = tpu.sem_alloc : memref<!tpu.dma_semaphore, #tpu.memory_space<semaphore_mem>>
        %dma_start3A_71 = arith.constant 0 : i32
        %dma_start3A_72 = arith.constant 0 : i32
        %dma_start3A_73 = tpu.memref_slice %arg5[%arg0, %dma_start3A_71, %dma_start3A_72] : memref<2x10000x128xf32, #tpu.memory_space<hbm>> -> memref<1x10000x128xf32, #tpu.memory_space<hbm>>
        %dma_start3A_74 = tpu.memref_squeeze %dma_start3A_73 : memref<1x10000x128xf32, #tpu.memory_space<hbm>> -> memref<10000x128xf32, #tpu.memory_space<hbm>>
        %dma_start3A_75 = arith.constant 9480 : i32
        %dma_start3A_76 = arith.constant 0 : i32
        %dma_start3A_77 = tpu.memref_slice %dma_start3A_74[%dma_start3A_75, %dma_start3A_76] : memref<10000x128xf32, #tpu.memory_space<hbm>> -> memref<520x128xf32, #tpu.memory_space<hbm>>
        %dma_start3A_78 = arith.constant 9480 : i32
        %dma_start3A_79 = arith.constant 0 : i32
        %dma_start3A_80 = tpu.memref_slice %arg9[%dma_start3A_78, %dma_start3A_79] : memref<10112x128xf32, #tpu.memory_space<vmem_shared>> -> memref<520x128xf32, #tpu.memory_space<vmem_shared>>
        tpu.enqueue_dma source(%dma_start3A_80 : memref<520x128xf32, #tpu.memory_space<vmem_shared>>) target(%dma_start3A_77 : memref<520x128xf32, #tpu.memory_space<hbm>>) target_semaphore(%run_scoped3A_70 : memref<!tpu.dma_semaphore, #tpu.memory_space<semaphore_mem>>)
        %dma_wait3A_81 = arith.constant 0 : i32
        %dma_wait3A_82 = arith.constant 0 : i32
        %dma_wait3A_83 = tpu.memref_slice %arg5[%arg0, %dma_wait3A_81, %dma_wait3A_82] : memref<2x10000x128xf32, #tpu.memory_space<hbm>> -> memref<1x10000x128xf32, #tpu.memory_space<hbm>>
        %dma_wait3A_84 = tpu.memref_squeeze %dma_wait3A_83 : memref<1x10000x128xf32, #tpu.memory_space<hbm>> -> memref<10000x128xf32, #tpu.memory_space<hbm>>
        %dma_wait3A_85 = arith.constant 9480 : i32
        %dma_wait3A_86 = arith.constant 0 : i32
        %dma_wait3A_87 = tpu.memref_slice %dma_wait3A_84[%dma_wait3A_85, %dma_wait3A_86] : memref<10000x128xf32, #tpu.memory_space<hbm>> -> memref<520x128xf32, #tpu.memory_space<hbm>>
        %dma_wait3A_88 = arith.constant 9480 : i32
        %dma_wait3A_89 = arith.constant 0 : i32
        %dma_wait3A_90 = tpu.memref_slice %arg9[%dma_wait3A_88, %dma_wait3A_89] : memref<10112x128xf32, #tpu.memory_space<vmem_shared>> -> memref<520x128xf32, #tpu.memory_space<vmem_shared>>
        tpu.wait_dma2 semaphore(%run_scoped3A_70 : memref<!tpu.dma_semaphore, #tpu.memory_space<semaphore_mem>>) src(%dma_wait3A_90 : memref<520x128xf32, #tpu.memory_space<vmem_shared>>) dst(%dma_wait3A_87 : memref<520x128xf32, #tpu.memory_space<hbm>>)
        tpu.yield
      }) : () -> ()
    } else {
    }
    return
  }
}

module attributes {stable_mosaic.version = 14 : i64} {
  func.func @_combine_body(%arg0: i32, %arg1: memref<1000x128xf32, #tpu.memory_space<vmem>>, %arg2: memref<1000x128xf32, #tpu.memory_space<vmem>>, %arg3: memref<1000x128xf32, #tpu.memory_space<vmem>>) attributes {dimension_semantics = [#tpu.dimension_semantics<arbitrary>], iteration_bounds = array<i64: 10>, scalar_prefetch = 0 : i64, scratch_operands = 0 : i64, tpu.core_type = #tpu.core_type<tc>, window_params = [{transform_indices = @transform_0, window_bounds = array<i64: 1000, 128>}, {transform_indices = @transform_1, window_bounds = array<i64: 1000, 128>}, {transform_indices = @transform_2, window_bounds = array<i64: 1000, 128>}]} {
    %get3A = arith.constant 0 : index
    %get3A_0 = arith.constant 0 : index
    %get3A_1 = vector.load %arg1[%get3A, %get3A_0] : memref<1000x128xf32, #tpu.memory_space<vmem>>, vector<1000x128xf32>
    %get3A_2 = arith.constant 0 : index
    %get3A_3 = arith.constant 0 : index
    %get3A_4 = vector.load %arg2[%get3A_2, %get3A_3] : memref<1000x128xf32, #tpu.memory_space<vmem>>, vector<1000x128xf32>
    %add3A = arith.addf %get3A_1, %get3A_4 : vector<1000x128xf32>
    %swap3A = arith.constant 0 : index
    %swap3A_5 = arith.constant 0 : index
    %swap3A_6 = vector.load %arg3[%swap3A, %swap3A_5] : memref<1000x128xf32, #tpu.memory_space<vmem>>, vector<1000x128xf32>
    tpu.vector_store %arg3[%swap3A, %swap3A_5], %add3A {strides = array<i32>} : memref<1000x128xf32, #tpu.memory_space<vmem>>, vector<1000x128xf32>,
    return
  }
  func.func @transform_0(%arg0: i32) -> (i32, i32) {
    %c0_i32 = arith.constant 0 : i32
    %c0_i32_0 = arith.constant 0 : i32
    return %arg0, %c0_i32 : i32, i32
  }
  func.func @transform_1(%arg0: i32) -> (i32, i32) {
    %c0_i32 = arith.constant 0 : i32
    %c0_i32_0 = arith.constant 0 : i32
    return %arg0, %c0_i32 : i32, i32
  }
  func.func @transform_2(%arg0: i32) -> (i32, i32) {
    %c0_i32 = arith.constant 0 : i32
    %c0_i32_0 = arith.constant 0 : i32
    return %arg0, %c0_i32 : i32, i32
  }
}

</mosaic_0001>

<sc_bundles>
// kernel: kernel.4.cloned.1.call-start
scs
__scs_entry_jumppad:
0x0: {  	(pc) =	sbr.rel $0x88, $3  }
0x1: {  	(tag) =	ssettag $0x0;
	lr =	simm.s32 $0x1  }
0x2: {  	[smem:$0x3F9F] =	sst lr;
	_ =	strace $0xD0000000  }
0x3: {  	_ = 	snop  }
0x4: {  	_ = 	snop  }
0x5: {  	_ = 	snop  }
0x6: {  	_ = 	snop  }
0x7: {  	_ = 	snop  }
__scs_overlays_trampoline_lowered:
0x8: {  	[smem:$0x3FAE] =	sst s0  }
0x9: {  	[smem:$0x3FAF] =	sst s1  }
0xa: {  	[smem:$0x3FB0] =	sst s2  }
0xb: {  	[smem:$0x3FB1] =	sst s3  }
0xc: {  	[smem:$0x3FB2] =	sst s4  }
0xd: {  	[smem:$0x3FB3] =	sst s5  }
0xe: {  	[smem:$0x3FB4] =	sst s6  }
0xf: {  	[smem:$0x3FB5] =	sst s7  }
0x10: {  	[smem:$0x3FB6] =	sst s8  }
0x11: {  	[smem:$0x3FB7] =	sst s9;
	s0 =	simm.s32 @!p0 $0x0  }
0x12: {  	s1 =	sld [smem:$0x3F9D];
	s0 =	simm.s32 @p0 $0x1  }
0x13: {  	[smem:$0x3FB8] =	sst s0;
	s0 =	simm.s32 @!p1 $0x0  }
0x14: {  	s2 =	sld [smem:$0x3F9C];
	s0 =	simm.s32 @p1 $0x1  }
0x15: {  	[smem:$0x3FB9] =	sst s0;
	s0 =	simm.s32 @!p2 $0x0  }
0x16: {  	s3 =	sld [smem:$0x3FDB];
	s0 =	simm.s32 @p2 $0x1  }
0x17: {  	s4 =	simm.s32 $0x1BF5;
	[smem:$0x3FBB] =	sst s0  }
0x18: {  	s0 =	sld [smem:$0x3F9E];
	_ =	swait.ge [sflag:s4], $0x0  }
0x19: {  	s7 =	sld [smem:$0x3F9F]  }
0x1a: {  	s8 =	sadd.s32 $0xFFFFE003, lr  }
0x1b: {  	s9 =	sadd.s32 $0xFFFFFEF7, lr;
	s5 =	simm.s32 $0xFFFFFFFF;
	p2 =	slt.u32 s8, $0xFFFFF086  }
0x1c: {  	p1 =	slt.u32 s9, $0xF7A;
	s5 =	simm.s32 @!p2 $0x0  }
0x1d: {  	s5 =	simm.s32 @p1 $0x1;
	p0 =	seq.s32 s7, s2  }
0x1e: {  	s7 =	smul.u32 @!p0 $0xF7A, s2;
	p2 =	seq.s32 @!p0 s5, $0x0  }
0x1f: {  	s9 =	smul.u32 $0xF7A, s1;
	s8 =	simm.s32 @!p0 $0x1BF5;
	p2 =	por !p2, p0  }
0x20: {  	[sflag:s8] =	ssyncset.s32 @!p0 $0xFFFFF086;
	s6 =	sadd.s32 @!p0 s3, s7;
	s7 =	simm.s32 @!p0 $0x108  }
0x21: {  	s3 =	sadd.s32 s3, s9;
	s6 =	sadd.s32 @!p0 $0x88, s6;
	s7 =	simm.s32 @p2 $0x1082  }
0x22: {  	[simem:s7], [sflag:s8] =	dma.local @!p0 [hbm:s6], $0xF7A  }
0x23: {  	s9 =	sor.u32 $0xD0000000, s2;
	s6 =	simm.s32 $0x108;
	_ =	swait.ge @!p0 [sflag:s8], $0x0  }
0x24: {  	s3 =	sadd.s32 $0x88, s3;
	s6 =	simm.s32 @!p1 $0x1082;
	[sflag:s4] =	ssyncset.s32 $0xFFFFF086  }
0x25: {  	[simem:s6], [sflag:s4] =	dma.local [hbm:s3], $0xF7A  }
0x26: {  	[smem:$0x3F9F] =	sst s1;
	(tag) =	ssettag s2;
	_ =	strace s9  }
0x27: {  	s1 =	sld [smem:$0x3FAF]  }
0x28: {  	s2 =	sld [smem:$0x3FB0]  }
0x29: {  	s4 =	sld [smem:$0x3FB2]  }
0x2a: {  	p0 =	seq.s32 s5, $0x0;
	s5 =	sld [smem:$0x3FB3]  }
0x2b: {  	s6 =	sld [smem:$0x3FB4]  }
0x2c: {  	s7 =	sld [smem:$0x3FB5]  }
0x2d: {  	s3 =	simm.s32 $0x108;
	s8 =	sld [smem:$0x3FB6]  }
0x2e: {  	s3 =	simm.s32 @!p0 $0x1082;
	s9 =	sld [smem:$0x3FB7]  }
0x2f: {  	lr =	sadd.s32 s0, s3;
	s0 =	sld [smem:$0x3FAE]  }
0x30: {  	s3 =	sld [smem:$0x3FB1]  }
0x31: {  	[smem:$0x3FBA] =	sst s10  }
0x32: {  	s10 =	sld [smem:$0x3FB8];
	_ =	sdelay $0x3  }
0x33: {  	p0 =	seq.s32 s10, $0x1;
	s10 =	sld [smem:$0x3FBA];
	_ =	sdelay $0x3  }
0x34: {  	[smem:$0x3FBA] =	sst s10  }
0x35: {  	s10 =	sld [smem:$0x3FB9];
	_ =	sdelay $0x3  }
0x36: {  	p1 =	seq.s32 s10, $0x1;
	s10 =	sld [smem:$0x3FBA];
	_ =	sdelay $0x3  }
0x37: {  	[smem:$0x3FBA] =	sst s10  }
0x38: {  	s10 =	sld [smem:$0x3FBB]  }
0x39: {  	_ = 	snop;
	(pc) =	sbr.ind lr, $3  }
0x3a: {  	_ = 	snop  }
0x3b: {  	_ = 	snop  }
0x3c: {  	p2 =	seq.s32 s10, $0x1;
	s10 =	sld [smem:$0x3FBA]  }
0x3d: {  	_ =	shalt  }
0x3e: {  	_ =	shalt  }
0x3f: {  	_ =	shalt  }
0x40: {  	_ =	shalt  }
0x41: {  	_ =	shalt  }
0x42: {  	_ =	shalt  }
0x43: {  	_ =	shalt  }
0x44: {  	_ =	shalt  }
0x45: {  	_ =	shalt  }
0x46: {  	_ =	shalt  }
0x47: {  	_ =	shalt  }
0x48: {  	_ =	shalt  }
0x49: {  	_ =	shalt  }
0x4a: {  	_ =	shalt  }
0x4b: {  	_ =	shalt  }
0x4c: {  	_ =	shalt  }
0x4d: {  	_ =	shalt  }
0x4e: {  	_ =	shalt  }
0x4f: {  	_ =	shalt  }
0x50: {  	_ =	shalt  }
0x51: {  	_ =	shalt  }
0x52: {  	_ =	shalt  }
0x53: {  	_ =	shalt  }
0x54: {  	_ =	shalt  }
0x55: {  	_ =	shalt  }
0x56: {  	_ =	shalt  }
0x57: {  	_ =	shalt  }
0x58: {  	_ =	shalt  }
0x59: {  	_ =	shalt  }
0x5a: {  	_ =	shalt  }
0x5b: {  	_ =	shalt  }
0x5c: {  	_ =	shalt  }
0x5d: {  	_ =	shalt  }
0x5e: {  	_ =	shalt  }
0x5f: {  	_ =	shalt  }
0x60: {  	_ =	shalt  }
0x61: {  	_ =	shalt  }
0x62: {  	_ =	shalt  }
0x63: {  	_ =	shalt  }
0x64: {  	_ =	shalt  }
0x65: {  	_ =	shalt  }
0x66: {  	_ =	shalt  }
0x67: {  	_ =	shalt  }
0x68: {  	_ =	shalt  }
0x69: {  	_ =	shalt  }
0x6a: {  	_ =	shalt  }
0x6b: {  	_ =	shalt  }
0x6c: {  	_ =	shalt  }
0x6d: {  	_ =	shalt  }
0x6e: {  	_ =	shalt  }
0x6f: {  	_ =	shalt  }
0x70: {  	_ =	shalt  }
0x71: {  	_ =	shalt  }
0x72: {  	_ =	shalt  }
0x73: {  	_ =	shalt  }
0x74: {  	_ =	shalt  }
0x75: {  	_ =	shalt  }
0x76: {  	_ =	shalt  }
0x77: {  	_ =	shalt  }
0x78: {  	_ =	shalt  }
0x79: {  	_ =	shalt  }
0x7a: {  	_ =	shalt  }
0x7b: {  	_ =	shalt  }
0x7c: {  	_ =	shalt  }
0x7d: {  	_ =	shalt  }
0x7e: {  	_ =	shalt  }
0x7f: {  	_ =	shalt  }
0x80: {  	_ =	shalt  }
0x81: {  	_ =	shalt  }
0x82: {  	_ =	shalt  }
0x83: {  	_ =	shalt  }
0x84: {  	_ =	shalt  }
0x85: {  	_ =	shalt  }
0x86: {  	_ =	shalt  }
0x87: {  	_ =	shalt  }
.Lfunc_end0:
.L_simem_size_0:
called_computation_lowered:
.L_overlay_start_0:
0x88: {  	s2 =	sld [smem:$0x3FD9]  }
0x89: {  	s3 =	sld [smem:$0x3FFE];
	_ =	sdelay $0x1  }
0x8a: {  	s1 =	srdreg.scid  }
0x8b: {  	s0 =	sand.u32 $0x1, s1  }
0x8c: {  	s17 =	sshll.u32 s0, $0xA;
	s2 =	sadd.s32 s3, s2  }
0x8d: {  	s2 =	sadd.s32 s2, s17  }
0x8e: {  	[smem:$0x3FC6] =	sst s2  }
0x8f: {  	_ = 	snop  }
0x90: {  	s2 =	sld [smem:$0x3FC8]  }
0x91: {  	s18 =	sld [smem:$0x3FD0];
	(tm) =	ssettm $0x1  }
0x92: {  	s4 =	sld [smem:$0x3FFB];
	_ =	sdelay $0x3  }
0x93: {  	_ =	strace s4  }
0x94: {  	s4 =	sld [smem:$0x3FFC];
	_ =	sdelay $0x3  }
0x95: {  	_ =	strace s4  }
0x96: {  	s4 =	sld [smem:$0x3FFD];
	_ =	sdelay $0x3  }
0x97: {  	_ =	strace s4  }
0x98: {  	_ =	strace $0x8FFFFFFF  }
0x99: {  	s19 =	sld [smem:$0x3FDB];
	_ =	sdelay $0x1  }
0x9a: {  	s5 =	simm.s32 $_scs_section_size  }
0x9b: {  	s6 =	simm.s32 $_size__tile_overlayer_lowered;
	s7 =	simm.s32 $_tile_overlayer_lowered  }
0x9c: {  	s22 =	simm.s32 $0x1BFF;
	s21 =	sshll.u32 s7, $0x1;
	s4 =	sadd.s32 s5, s19  }
0x9d: {  	s8 =	simm.s32 $0x0;
	s20 =	sshll.u32 s6, $0x1;
	s6 =	sadd.s32 s21, s4  }
0x9e: {  	[timem:s8], [sflag:s22] =	dma.local [hbm:s6], s20  }
0x9f: {  	_ =	swait.ge [sflag:s22], s20  }
0xa0: {  	s5 =	ssub.s32 $0x0, s20;
	[sflag:s22] =	ssyncset.done $0x0  }
0xa1: {  	[sflag:s22] =	ssyncadd.s32 s5;
	_ =	sdelay $0x1  }
0xa2: {  	s23 =	simm.s32 $0x1B8B  }
0xa3: {  	_ =	swait.ge [sflag:s23], $0x1  }
0xa4: {  	[sflag:s23] =	ssyncset.done $0x0  }
0xa5: {  	s25 =	simm.s32 $0x1B8E;
	s24 =	sld [smem:$0x3FFE];
	[sflag:s23] =	ssyncadd.s32 $0xFFFFFFFF  }
0xa6: {  	s26 =	simm.s32 $execute0_lowered;
	[smem:$0x3FD2] =	sst s25  }
0xa7: {  	s6 =	sshll.u32 s26, $0x1;
	_ =	strace $0x80000046;
	[dreg:$0x1] =	wrdreg $0xFFFFFFFF  }
0xa8: {  	s28 =	simm.s32 $_size_execute0_lowered;
	s4 =	sadd.s32 s4, s6;
	[dreg:$0x0] =	wrdreg $0x0  }
0xa9: {  	s6 =	sshll.u32 s28, $0x1;
	[dreg:$0x2] =	wrdreg s4  }
0xaa: {  	[dreg:$0x3] =	wrdreg s6  }
0xab: {  	[dreg:$0x4] =	wrdreg $0xC0  }
0xac: {  	_ =	task [dreg:s8], $0x5FFFF  }
0xad: {  	[dreg:$0x1] =	wrdreg $0xFFFFFFFF  }
0xae: {  	[dreg:$0x0] =	wrdreg $0x60  }
0xaf: {  	[dreg:$0x2] =	wrdreg s18  }
0xb0: {  	[dreg:$0x3] =	wrdreg s24  }
0xb1: {  	[dreg:$0x4] =	wrdreg s2  }
0xb2: {  	[dreg:$0x5] =	wrdreg $0x90000  }
0xb3: {  	[dreg:$0x6] =	wrdreg $0x9  }
0xb4: {  	_ =	task.clear_ibuf [dreg:s8], $0x7FFFF;
	_ =	strace $0x90000046  }
0xb5: {  	s29 =	simm.s32 $0x9;
	_ =	strace $0x80000048  }
0xb6: {  	_ =	swait.ge [sflag:s29], $0x1  }
0xb7: {  	[sflag:s29] =	ssyncadd.s32 $0xFFFFFFFF  }
0xb8: {  	_ =	strace $0x90000048  }
0xb9: {  	_ =	sfence  }
0xba: {  	s30 =	sld [smem:$0x0];
	_ =	sdelay $0x2  }
0xbb: {  	s31 =	sshll.u32 s1, $0xD;
	s1 =	sshrl.u32 s1, $0x2  }
0xbc: {  	s3 =	sand.u32 $0x4000, s31;
	s1 =	sadd.s32 s1, s30  }
0xbd: {  	s0 =	sor.u32 s3, s0;
	s1 =	sshll.u32 s1, $0x11  }
0xbe: {  	s0 =	sor.u32 s1, s0  }
0xbf: {  	s0 =	sadd.s32 $0x8F2B, s0  }
0xc0: {  	[sflag:s0] =	ssyncadd.remote.s32 $0x1  }
0xc1: {  	_ =	sfence.sel $0xFFFF  }
0xc2: {  	[dreg:$0x0] =	wrdreg $0xFFFFFFFF;
	(pc) =	sbr.abs _section_cstart, $3  }
0xc3: {  	[dreg:$0x1] =	wrdreg $0xFFFFFFFF  }
0xc4: {  	_ =	task.clear_ibuf [dreg:s8], $0x2FFFF;
	_ =	strace $0x9FFFFFFF  }
0xc5: {  	(tm) =	ssettm $0x7FFFFFFF  }
tec
execute0_lowered:
.L_overlay_start_1:
0x0: {  	(tag) =	ssettag $0x1  }
0x1: {  	s5 =	rddreg [dreg:$0x0]  }
0x2: {  	s6 =	rddreg [dreg:$0x1]  }
0x3: {  	s1 =	rddreg [dreg:$0x2]  }
0x4: {  	s2 =	rddreg [dreg:$0x3]  }
0x5: {  	s0 =	rddreg [dreg:$0x4];
	s3 =	srdreg.scid  }
0x6: {  	s4 =	simm.s32 $0x0;
	s14 =	simm.s32 $0x2800;
	s15 =	simm.s32 $0x5000  }
0x7: {  	s16 =	simm.s32 $0x4;
	s17 =	simm.s32 $0x2;
	s18 =	simm.s32 $0x3  }
0x8: {  	s19 =	simm.s32 $0x80;
	s20 =	simm.s32 $0x1;
	s21 =	simm.s32 $0x2700  }
0x9: {  	s22 =	simm.s32 $0x4F00;
	s7 =	sand.u32 $0x1, s3;
	s3 =	stileid.u32  }
0xa: {  	s25 =	simm.s32 $0x0;
	[smem:$0x7FF] =	sst s4;
	s8 =	smul.u32 $0x27100, s7  }
0xb: {  	s23 =	sadd.s32 $0x128400, s2;
	s9 =	sshll.u32 s3, $0x1;
	s30 =	smul.u32 $0x4F000, s3  }
0xc: {  	s10 =	ssub.s32 $0x2, s7;
	_ =	strace $0x80000047;
	s24 =	smul.u32 $0x2780, s3  }
0xd: {  	p0 =	seq.s32 s3, $0xF;
	s7 =	sor.u32 s7, s9;
	s11 =	sshrl.u32 s10, $0x1  }
0xe: {  	s23 =	sshrl.u32 @p0 s23, $0x3;
	s7 =	smul.u32 $0x500, s7;
	s12 =	sadd.s32 s8, s6  }
0xf: {  	s10 =	ssub.s32 s10, s11;
	s31 =	sshrl.u32 s30, $0x2;
	s9 =	sadd.s32 $0xA000, s12  }
0x10: {  	s5 =	sadd.s32 s5, s7;
	s6 =	sadd.s32 s6, s7;
	s7 =	sadd.s32 s31, s2  }
0x11: {  	s10 =	smax.u32 s10, $0x1;
	s24 =	sadd.s32 @!p0 s24, s9;
	s8 =	sadd.s32 $0x10000, s7  }
0x12: {  	v0 =	vimm.f32 $0.0e+00;
	s11 =	sadd.s32 $0x4000, s7;
	s12 =	sadd.s32 $0x8000, s7;
	s13 =	sadd.s32 $0xC000, s7  }
.LBB2_1:
0x13: {  	[tilespmem:s4], [sflag:$0x2] =	stream.linear.gather [hbm4b:s5+s4], $0x2780, $0x38;
	[tilespmem:$0x1CC00] =	vst v63  }
0x14: {  	s26 =	simm.s32 $0x0;
	s28 =	simm.s32 $0x200  }
0x15: {  	[tilespmem:s14], [sflag:$0x3] =	stream.linear.gather [hbm4b:s6+s4], $0x2780, $0x38;
	[tilespmem:$0x1CC00] =	vst v63  }
.LBB2_2:
0x16: {  	p1 =	sne.s32 s28, $0xFE00;
	[tilespmem:s26+$0x5070] =	vst v0  }
0x17: {  	[tilespmem:s26+$0x5000] =	vst v0  }
0x18: {  	[tilespmem:s26+$0x5010] =	vst v0  }
.Ltmp0:
0x19: {  	[tilespmem:s26+$0x5020] =	vst v0;
	(pc) =	sbr.rel @p1 .LBB2_2-.Ltmp0, $4  }
0x1a: {  	[tilespmem:s26+$0x5030] =	vst v0  }
0x1b: {  	[tilespmem:s26+$0x5040] =	vst v0  }
0x1c: {  	[tilespmem:s26+$0x5050] =	vst v0  }
0x1d: {  	[tilespmem:s26+$0x5060] =	vst v0;
	s26 =	sshra.s32 s28, $0x2;
	s28 =	sadd.s32 $0x200, s28  }
0x1e: {  	[tilespmem:s26+$0x5070] =	vst v0  }
0x1f: {  	[tilespmem:s26+$0x5000] =	vst v0  }
0x20: {  	[tilespmem:s26+$0x5010] =	vst v0  }
0x21: {  	[tilespmem:s26+$0x5020] =	vst v0  }
0x22: {  	[tilespmem:s26+$0x5030] =	vst v0  }
0x23: {  	[tilespmem:s26+$0x5040] =	vst v0  }
0x24: {  	[tilespmem:s26+$0x5050] =	vst v0  }
0x25: {  	[tilespmem:s26+$0x5060] =	vst v0  }
0x26: {  	[spmem:s7] =	stream.linear.scatter [tilespmem:s15], [sflag:$0x4], $0x4000, $0x38;
	[tilespmem:$0x1CC00] =	vst v63  }
0x27: {  	_ =	swait.ge [sflag:s16], $0x4000  }
0x28: {  	[sflag:s16] =	ssyncset.done $0x0  }
0x29: {  	[sflag:s16] =	ssyncadd.s32 $0xFFFFC000  }
0x2a: {  	[spmem:s11] =	stream.linear.scatter [tilespmem:s15], [sflag:$0x4], $0x4000, $0x38;
	[tilespmem:$0x1CC00] =	vst v63  }
0x2b: {  	_ =	swait.ge [sflag:s16], $0x4000  }
0x2c: {  	[sflag:s16] =	ssyncset.done $0x0  }
0x2d: {  	[sflag:s16] =	ssyncadd.s32 $0xFFFFC000  }
0x2e: {  	[spmem:s12] =	stream.linear.scatter [tilespmem:s15], [sflag:$0x4], $0x4000, $0x38;
	[tilespmem:$0x1CC00] =	vst v63  }
0x2f: {  	_ =	swait.ge [sflag:s16], $0x4000  }
0x30: {  	[sflag:s16] =	ssyncset.done $0x0  }
0x31: {  	[sflag:s16] =	ssyncadd.s32 $0xFFFFC000  }
0x32: {  	[spmem:s13] =	stream.linear.scatter [tilespmem:s15], [sflag:$0x4], $0x4000, $0x38;
	[tilespmem:$0x1CC00] =	vst v63  }
0x33: {  	_ =	swait.ge [sflag:s16], $0x4000  }
0x34: {  	[sflag:s16] =	ssyncset.done $0x0  }
0x35: {  	[sflag:s16] =	ssyncadd.s32 $0xFFFFC000  }
0x36: {  	[spmem:s8] =	stream.linear.scatter [tilespmem:s15], [sflag:$0x4], $0x3C00, $0x38;
	[tilespmem:$0x1CC00] =	vst v63  }
0x37: {  	_ =	swait.ge [sflag:s16], $0x3C00  }
0x38: {  	[sflag:s16] =	ssyncset.done $0x0  }
0x39: {  	[sflag:s16] =	ssyncadd.s32 $0xFFFFC400  }
0x3a: {  	_ =	swait.ge [sflag:s17], $0x2780  }
0x3b: {  	[sflag:s17] =	ssyncset.done $0x0  }
0x3c: {  	[sflag:s17] =	ssyncadd.s32 $0xFFFFD880  }
0x3d: {  	_ =	swait.ge [sflag:s18], $0x2780  }
0x3e: {  	[sflag:s18] =	ssyncset.done $0x0  }
0x3f: {  	[sflag:s18] =	ssyncadd.s32 $0xFFFFD880  }
0x40: {  	s31 =	simm.s32 $0x0;
	[bflag:$0x0] =	sbarrier.arrive $0xFFFF  }
0x41: {  	[tilespmem:s15], [sflag:$0x1] =	stream.indirect.gather [hbm4b:s1+s19], $0x80, s31, s19, $0xb8;
	[tilespmem:$0x1CC00] =	vst v63  }
0x42: {  	_ =	swait.ge [sflag:s20], $0x4000  }
0x43: {  	[sflag:s20] =	ssyncset.done $0x0  }
0x44: {  	s29 =	simm.s32 $0x2800;
	[sflag:s20] =	ssyncadd.s32 $0xFFFFC000  }
0x45: {  	[spmem:s2] =	stream.indirect.scatter.add.f32 [tilespmem:s15], [sflag:$0x4], $0x80, s29, s19, $0xb8;
	[tilespmem:$0x1CC00] =	vst v63  }
0x46: {  	_ =	swait.ge [sflag:s16], $0x4000  }
0x47: {  	[sflag:s16] =	ssyncset.done $0x0  }
0x48: {  	s30 =	simm.s32 $0x80;
	[sflag:s16] =	ssyncadd.s32 $0xFFFFC000  }
0x49: {  	[tilespmem:s15], [sflag:$0x1] =	stream.indirect.gather [hbm4b:s1+s19], $0x80, s30, s19, $0xb8;
	[tilespmem:$0x1CC00] =	vst v63  }
0x4a: {  	_ =	swait.ge [sflag:s20], $0x4000  }
0x4b: {  	[sflag:s20] =	ssyncset.done $0x0  }
0x4c: {  	s31 =	simm.s32 $0x2880;
	[sflag:s20] =	ssyncadd.s32 $0xFFFFC000  }
0x4d: {  	[spmem:s2] =	stream.indirect.scatter.add.f32 [tilespmem:s15], [sflag:$0x4], $0x80, s31, s19, $0xb8;
	[tilespmem:$0x1CC00] =	vst v63  }
0x4e: {  	_ =	swait.ge [sflag:s16], $0x4000  }
0x4f: {  	s26 =	simm.s32 $0x400;
	s28 =	simm.s32 $0x800;
	[sflag:s16] =	ssyncset.done $0x0  }
.LBB2_4:
0x50: {  	s29 =	sshra.s32 s26, $0x2  }
0x51: {  	[sflag:s16] =	ssyncadd.s32 $0xFFFFC000;
	s26 =	smov.u32 s28;
	s30 =	sadd.s32 $0x400, s28  }
0x52: {  	[tilespmem:s15], [sflag:$0x1] =	stream.indirect.gather [hbm4b:s1+s19], $0x80, s29, s19, $0xb8;
	[tilespmem:$0x1CC00] =	vst v63  }
0x53: {  	p1 =	sne.s32 s28, $0x9800;
	_ =	swait.ge [sflag:s20], $0x4000  }
0x54: {  	[sflag:s20] =	ssyncset.done $0x0  }
0x55: {  	s28 =	sadd.s32 $0x2800, s29;
	[sflag:s20] =	ssyncadd.s32 $0xFFFFC000  }
0x56: {  	[spmem:s2] =	stream.indirect.scatter.add.f32 [tilespmem:s15], [sflag:$0x4], $0x80, s28, s19, $0xb8;
	[tilespmem:$0x1CC00] =	vst v63  }
0x57: {  	_ =	swait.ge [sflag:s16], $0x4000  }
0x58: {  	[sflag:s16] =	ssyncset.done $0x0  }
0x59: {  	s28 =	sadd.s32 $0x80, s29;
	[sflag:s16] =	ssyncadd.s32 $0xFFFFC000  }
0x5a: {  	[tilespmem:s15], [sflag:$0x1] =	stream.indirect.gather [hbm4b:s1+s19], $0x80, s28, s19, $0xb8;
	[tilespmem:$0x1CC00] =	vst v63  }
0x5b: {  	_ =	swait.ge [sflag:s20], $0x4000  }
.Ltmp1:
0x5c: {  	[sflag:s20] =	ssyncset.done $0x0;
	(pc) =	sbr.rel @p1 .LBB2_4-.Ltmp1, $4  }
0x5d: {  	s28 =	sadd.s32 $0x2880, s29;
	[sflag:s20] =	ssyncadd.s32 $0xFFFFC000  }
0x5e: {  	[spmem:s2] =	stream.indirect.scatter.add.f32 [tilespmem:s15], [sflag:$0x4], $0x80, s28, s19, $0xb8;
	[tilespmem:$0x1CC00] =	vst v63  }
0x5f: {  	_ =	swait.ge [sflag:s16], $0x4000  }
0x60: {  	s28 =	smov.u32 s30;
	[sflag:s16] =	ssyncset.done $0x0  }
0x61: {  	s26 =	sshra.s32 s26, $0x2;
	[sflag:s16] =	ssyncadd.s32 $0xFFFFC000  }
0x62: {  	[tilespmem:s15], [sflag:$0x1] =	stream.indirect.gather [hbm4b:s1+s19], $0x80, s26, s19, $0xb8;
	[tilespmem:$0x1CC00] =	vst v63  }
0x63: {  	_ =	swait.ge [sflag:s20], $0x4000  }
0x64: {  	[sflag:s20] =	ssyncset.done $0x0  }
0x65: {  	s28 =	sadd.s32 $0x2800, s26;
	[sflag:s20] =	ssyncadd.s32 $0xFFFFC000  }
0x66: {  	[spmem:s2] =	stream.indirect.scatter.add.f32 [tilespmem:s15], [sflag:$0x4], $0x80, s28, s19, $0xb8;
	[tilespmem:$0x1CC00] =	vst v63  }
0x67: {  	_ =	swait.ge [sflag:s16], $0x4000  }
0x68: {  	[sflag:s16] =	ssyncset.done $0x0  }
0x69: {  	s31 =	sadd.s32 $0x80, s26;
	[sflag:s16] =	ssyncadd.s32 $0xFFFFC000  }
0x6a: {  	[tilespmem:s15], [sflag:$0x1] =	stream.indirect.gather [hbm4b:s1+s19], $0x80, s31, s19, $0xb8;
	[tilespmem:$0x1CC00] =	vst v63  }
0x6b: {  	_ =	swait.ge [sflag:s20], $0x4000  }
0x6c: {  	[sflag:s20] =	ssyncset.done $0x0  }
0x6d: {  	s26 =	sadd.s32 $0x2880, s26;
	[sflag:s20] =	ssyncadd.s32 $0xFFFFC000  }
0x6e: {  	[spmem:s2] =	stream.indirect.scatter.add.f32 [tilespmem:s15], [sflag:$0x4], $0x80, s26, s19, $0xb8;
	[tilespmem:$0x1CC00] =	vst v63  }
0x6f: {  	_ =	swait.ge [sflag:s16], $0x4000  }
0x70: {  	[sflag:s16] =	ssyncset.done $0x0  }
0x71: {  	[sflag:s16] =	ssyncadd.s32 $0xFFFFC000  }
0x72: {  	[tilespmem:s15], [sflag:$0x1] =	stream.indirect.gather [hbm4b:s1+s19], $0x80, s21, s19, $0xb8;
	[tilespmem:$0x1CC00] =	vst v63  }
0x73: {  	_ =	swait.ge [sflag:s20], $0x4000  }
0x74: {  	[sflag:s20] =	ssyncset.done $0x0  }
0x75: {  	[sflag:s20] =	ssyncadd.s32 $0xFFFFC000  }
0x76: {  	[spmem:s2] =	stream.indirect.scatter.add.f32 [tilespmem:s15], [sflag:$0x4], $0x80, s22, s19, $0xb8;
	[tilespmem:$0x1CC00] =	vst v63  }
0x77: {  	_ =	swait.ge [sflag:s16], $0x4000  }
0x78: {  	[sflag:s16] =	ssyncset.done $0x0  }
0x79: {  	[sflag:s16] =	ssyncadd.s32 $0xFFFFC000  }
0x7a: {  	s28 =	simm.s32 @p0 $0x1FC4;
	s26 =	sadd.s32 @p0 $0x25080, s9;
	[bflag:$0x0] =	sbarrier.arrive $0xFFFF  }
0x7b: {  	[hbm:s26], [sflag:s28] =	dma.local @p0 [spmem:s23], $0x2080  }
0x7c: {  	s26 =	simm.s32 @p0 $0x4  }
0x7d: {  	s25 =	sadd.s32 $0x1, s25;
	_ =	swait.ge @p0 [sflag:s26], $0x2080  }
0x7e: {  	p1 =	sne.s32 s25, s10;
	s28 =	sshll.u32 @!p0 s3, $0x6;
	[sflag:s26] =	ssyncset.done @p0 $0x0  }
0x7f: {  	[sflag:s26] =	ssyncadd.s32 @p0 $0xFFFFDF80;
	s26 =	sor.u32 @!p0 $0x1C04, s28;
	s28 =	sshrl.u32 @!p0 s7, $0x3  }
0x80: {  	[hbm:s24], [sflag:s26] =	dma.local @!p0 [spmem:s28], $0x2780  }
.Ltmp2:
0x81: {  	_ = 	snop;
	(pc) =	sbr.rel @p1 .LBB2_1-.Ltmp2, $4  }
0x82: {  	s26 =	simm.s32 @!p0 $0x4  }
0x83: {  	_ =	swait.ge @!p0 [sflag:s26], $0x2780  }
0x84: {  	[sflag:s26] =	ssyncset.done @!p0 $0x0  }
0x85: {  	[sflag:s26] =	ssyncadd.s32 @!p0 $0xFFFFD880  }
0x86: {  	_ =	sfence.sel $0x180000  }
0x87: {  	[bflag:$0x0] =	sbarrier.arrive $0xFFFF  }
0x88: {  	p0 =	sne.s32 s3, $0x0;
	_ =	strace $0x90000047  }
0x89: {  	s0 =	sadd.s32 @!p0 $0x100000, s0;
	[bflag:$0x2] =	sbarrier.arrive $0xFFFF  }
0x8a: {  	[sflag:s0] =	ssyncadd.tile.s32 @!p0 $0x1;
	_ =	shalt  }
.Lfunc_end2:
_tile_overlayer_lowered:
.L_overlay_start_2:
0x8b: {  	(tag) =	ssettag $0x2  }
0x8c: {  	s0 =	rddreg [dreg:$0x0];
	s2 =	stileid.u32  }
0x8d: {  	s1 =	rddreg [dreg:$0x1];
	p0 =	sne.s32 s2, $0x0  }
0x8e: {  	s3 =	rddreg [dreg:$0x2];
	[bflag:$0x3] =	sbarrier.arrive $0xFFFF;
	s2 =	simm.s32 @!p0 $0x1C04  }
0x8f: {  	[timem:s3], [sflag:s2] =	dma.local @!p0 [hbm:s0], s1  }
0x90: {  	s0 =	simm.s32 @!p0 $0x4  }
0x91: {  	_ =	swait.ge @!p0 [sflag:s0], s1  }
0x92: {  	s1 =	ssub.s32 @!p0 $0x0, s1;
	[sflag:s0] =	ssyncset.done @!p0 $0x0  }
0x93: {  	[sflag:s0] =	ssyncadd.s32 @!p0 s1  }
0x94: {  	[bflag:$0x3] =	sbarrier.arrive $0xFFFF  }
0x95: {  	_ =	shalt  }

</sc_bundles>
